<compile_context>
chip_gen: v7x
topology: tpu7x:2x2x1
jax: 0.10.2.dev20260603
libtpu: 0.0.44.dev20260713+nightly
codegen_flags: <defaults>
</compile_context>

<pallas_src>
import functools

import jax
import jax.numpy as jnp
from jax import lax
from jax.experimental import pallas as pl
from jax.experimental.pallas import tpu as pltpu
from jax.experimental.pallas import tpu_sc as plsc


def _retrieval_kernel(vt_ref, coords_ref, ct_ref, idx_ref,
                      c2col_ref, iota_ref, *, n_keys):
    b = pl.program_id(0)
    i = pl.program_id(1)

    @pl.when(jnp.logical_and(b == 0, i == 0))
    def _iota_init():
        iota_ref[...] = jax.lax.broadcasted_iota(
            jnp.int32, iota_ref.shape, 0).astype(jnp.float32)

    @pl.when(i == 0)
    def _c2_init():
        ct = ct_ref[0]
        c2 = (ct[0] * ct[0] + ct[1] * ct[1]) + ct[2] * ct[2]
        c2col_ref[...] = jnp.broadcast_to(c2[:, None], c2col_ref.shape)

    vt = vt_ref[0]
    c = coords_ref[0]
    v2 = (vt[0] * vt[0] + vt[1] * vt[1]) + vt[2] * vt[2]
    mm = jnp.dot(c * (-2.0), vt, preferred_element_type=jnp.float32)
    d2 = (v2[None, :] + c2col_ref[...]) + mm
    m2 = jnp.maximum(jnp.min(d2, axis=0), 0.0)
    s_min = jnp.sqrt(m2)
    m2bits = jax.lax.bitcast_convert_type(m2, jnp.int32)
    T = m2
    for k in range(1, 7):
        cand = jax.lax.bitcast_convert_type(m2bits + k, jnp.float32)
        T = jnp.where(jnp.sqrt(cand) == s_min, cand, T)
    idx = jnp.min(jnp.where(d2 <= T[None, :], iota_ref[...], float(n_keys)),
                  axis=0)
    idx_ref[0, 0, 0, :] = idx.astype(jnp.int32)


def _make_scatter_kernel(B, V, N):
    mesh = plsc.VectorSubcoreMesh(core_axis_name="c", subcore_axis_name="s")

    @functools.partial(
        pl.kernel, mesh=mesh,
        out_type=jax.ShapeDtypeStruct((B, N), jnp.float32),
        compiler_params=pltpu.CompilerParams(needs_layout_passes=False),
        scratch_types=[
            pltpu.VMEM((V,), jnp.int32),
            pltpu.VMEM((N,), jnp.float32),
        ],
    )
    def scatter_kernel(idx_hbm, out_hbm, idx_v, mask_v):
        nc = 2
        wid = lax.axis_index("s") * nc + lax.axis_index("c")

        @pl.when(wid < B)
        def _():
            pltpu.sync_copy(idx_hbm.at[wid], idx_v)
            zeros = jnp.zeros((16,), jnp.float32)

            def zbody(i, carry):
                mask_v[pl.ds(i * 16, 16)] = zeros
                return carry

            lax.fori_loop(0, N // 16, zbody, 0)
            ones = jnp.ones((16,), jnp.float32)

            def sbody(i, carry):
                iv = idx_v[pl.ds(i * 16, 16)]
                plsc.store_scatter(mask_v, [iv], ones)
                return carry

            lax.fori_loop(0, V // 16, sbody, 0)
            pltpu.sync_copy(mask_v, out_hbm.at[wid])

    return scatter_kernel


def _embsum_mlp_kernel(hit_ref, processed_ref, w1_ref, b1_ref, w2_ref, b2_ref,
                       out_ref):
    p = processed_ref[...]
    hit = hit_ref[...]
    emb = jnp.sum(p * hit[:, :, None], axis=1)
    h = jnp.maximum(
        jnp.dot(emb, w1_ref[...], preferred_element_type=jnp.float32)
        + b1_ref[...][None, :], 0.0)
    out_ref[...] = (
        jnp.dot(h, w2_ref[...], preferred_element_type=jnp.float32)
        + b2_ref[...][None, :])


@jax.jit
def kernel(verts, coords_ca, processed, W1, b1, W2, b2):
    B, V, _ = verts.shape
    _, N, H = processed.shape
    VT = 1024
    n_vtiles = V // VT

    verts_t = verts.transpose(0, 2, 1)
    coords_t = coords_ca.transpose(0, 2, 1)

    idx = pl.pallas_call(
        functools.partial(_retrieval_kernel, n_keys=N),
        grid=(B, n_vtiles),
        in_specs=[
            pl.BlockSpec((1, 3, VT), lambda b, i: (b, 0, i)),
            pl.BlockSpec((1, N, 3), lambda b, i: (b, 0, 0)),
            pl.BlockSpec((1, 3, N), lambda b, i: (b, 0, 0)),
        ],
        out_specs=pl.BlockSpec((1, 1, 1, VT), lambda b, i: (b, i, 0, 0)),
        out_shape=jax.ShapeDtypeStruct((B, n_vtiles, 1, VT), jnp.int32),
        scratch_shapes=[
            pltpu.VMEM((N, VT), jnp.float32),
            pltpu.VMEM((N, VT), jnp.float32),
        ],
    )(verts_t, coords_ca, coords_t)
    idx = idx.reshape(B, V)

    hit = _make_scatter_kernel(B, V, N)(idx)

    out = pl.pallas_call(
        _embsum_mlp_kernel,
        in_specs=[
            pl.BlockSpec((B, N), lambda: (0, 0)),
            pl.BlockSpec((B, N, H), lambda: (0, 0, 0)),
            pl.BlockSpec(W1.shape, lambda: (0, 0)),
            pl.BlockSpec(b1.shape, lambda: (0,)),
            pl.BlockSpec(W2.shape, lambda: (0, 0)),
            pl.BlockSpec(b2.shape, lambda: (0,)),
        ],
        out_specs=pl.BlockSpec((B, 7), lambda: (0, 0)),
        out_shape=jax.ShapeDtypeStruct((B, 7), jnp.float32),
    )(hit, processed, W1, b1, W2, b2)
    return out

# --- scband reference (transcript-rebuilt; emitter-appended) ---
"""Pipeline reference for scband-pro-net-masif-ligand-37108517438327 (READ-ONLY COPY).

The authoritative reference and input builder live on the scoring server;
editing this copy changes nothing except your own understanding.
"""

import jax, jax.numpy as jnp
import numpy as np


def _cdist(a, b):
    # torch.cdist equivalent: euclidean pairwise distances [V, N]
    d2 = jnp.sum(a * a, axis=-1)[:, None] + jnp.sum(b * b, axis=-1)[None, :] - 2.0 * (a @ b.T)
    return jnp.sqrt(jnp.maximum(d2, 0.0))


def setup_inputs(seed: int = 0) -> dict:
    key = jax.random.key(seed)
    ks = jax.random.split(key, 6)
    B, V, N, H = 8, 4096, 2048, 128
    return {
        "verts": jax.random.normal(ks[0], (B, V, 3), dtype=jnp.float32) * 10.0,
        "coords_ca": jax.random.normal(ks[1], (B, N, 3), dtype=jnp.float32) * 10.0,
        "processed": jax.random.normal(ks[2], (B, N, H), dtype=jnp.float32),
        "W1": jax.random.normal(ks[3], (H, H), dtype=jnp.float32) / np.sqrt(H),
        "b1": jnp.zeros((H,), dtype=jnp.float32),
        "W2": jax.random.normal(ks[4], (H, 7), dtype=jnp.float32) / np.sqrt(H),
        "b2": jnp.zeros((7,), dtype=jnp.float32),
    }


def reference(verts, coords_ca, processed, W1, b1, W2, b2):
    # processed stands in for the per-residue ProNet embeddings (embed_graph split per graph).
    B, N, H = processed.shape

    def select_close_and_sum(v, c, p):
        # select_close: nearest CA atom for each surface vertex (no_grad in original)
        d = _cdist(jax.lax.stop_gradient(v), jax.lax.stop_gradient(c))  # [V, N]
        min_indices = jnp.argmin(d, axis=1)  # [V]
        # selected = processed[min_indices.unique()]; sum over unique rows
        # == masked sum over rows that were hit at least once
        hit = jnp.zeros((N,), p.dtype).at[min_indices].max(1.0)  # [N] indicator
        return jnp.sum(p * hit[:, None], axis=0)  # [H]

    all_mean_embs = jax.vmap(select_close_and_sum)(verts, coords_ca, processed)  # [B, H]
    # top_net: Linear -> ReLU -> Dropout(eval: identity) -> Linear
    h = jnp.maximum(all_mean_embs @ W1 + b1, 0.0)
    out = h @ W2 + b2  # [B, 7]
    return out

if __name__ == "__main__":
    import jax
    _d = setup_inputs()
    print(jax.jit(kernel)(*tuple(_d.values())))

</pallas_src>

<mosaic_0001>
#map = affine_map<(d0, d1) -> (0, 0)>
module attributes {stable_mosaic.version = 14 : i64} {
  func.func @scatter_kernel(%arg0: i32, %arg1: i32, %arg2: memref<8x4096xi32, #tpu.memory_space<hbm>>, %arg3: memref<8x2048xf32, #tpu.memory_space<hbm>>, %arg4: memref<4096xi32, #tpu.memory_space<vmem>>, %arg5: memref<2048xf32, #tpu.memory_space<vmem>>) attributes {dimension_semantics = [#tpu.dimension_semantics<core_parallel>, #tpu.dimension_semantics<subcore_parallel>], iteration_bounds = array<i64: 2, 16>, scalar_prefetch = 0 : i64, scratch_operands = 2 : i64, tpu.core_type = #tpu.core_type<sc_vector_subcore>, window_params = [{transform_indices = #map}, {transform_indices = #map}]} {
    %mul3A = arith.constant 2 : i32
    %mul3A_0 = arith.muli %arg1, %mul3A : i32
    %add3A = arith.addi %mul3A_0, %arg0 : i32
    %lt3A = arith.constant 8 : i32
    %lt3A_1 = arith.cmpi slt, %add3A, %lt3A : i32
    %convert_element_type3A = arith.extui %lt3A_1 : i1 to i32
    %cond3A = arith.constant 0 : i32
    %cond3A_2 = arith.cmpi ne, %convert_element_type3A, %cond3A : i32
    scf.if %cond3A_2 {
      "tpu.region"() ({
        %run_scoped3A = tpu.sem_alloc : memref<!tpu.dma_semaphore, #tpu.memory_space<semaphore_mem>>
        %dma_start3A = arith.constant 0 : i32
        %dma_start3A_17 = tpu.memref_slice %arg2[%add3A, %dma_start3A] : memref<8x4096xi32, #tpu.memory_space<hbm>> -> memref<1x4096xi32, #tpu.memory_space<hbm>>
        %dma_start3A_18 = tpu.memref_squeeze %dma_start3A_17 : memref<1x4096xi32, #tpu.memory_space<hbm>> -> memref<4096xi32, #tpu.memory_space<hbm>>
        %dma_start3A_19 = arith.constant 0 : i32
        %dma_start3A_20 = tpu.memref_slice %arg2[%add3A, %dma_start3A_19] : memref<8x4096xi32, #tpu.memory_space<hbm>> -> memref<1x4096xi32, #tpu.memory_space<hbm>>
        %dma_start3A_21 = tpu.memref_squeeze %dma_start3A_20 : memref<1x4096xi32, #tpu.memory_space<hbm>> -> memref<4096xi32, #tpu.memory_space<hbm>>
        tpu.enqueue_dma source(%dma_start3A_21 : memref<4096xi32, #tpu.memory_space<hbm>>) target(%arg4 : memref<4096xi32, #tpu.memory_space<vmem>>) target_semaphore(%run_scoped3A : memref<!tpu.dma_semaphore, #tpu.memory_space<semaphore_mem>>)
        %dma_wait3A = arith.constant 0 : i32
        %dma_wait3A_22 = tpu.memref_slice %arg2[%add3A, %dma_wait3A] : memref<8x4096xi32, #tpu.memory_space<hbm>> -> memref<1x4096xi32, #tpu.memory_space<hbm>>
        %dma_wait3A_23 = tpu.memref_squeeze %dma_wait3A_22 : memref<1x4096xi32, #tpu.memory_space<hbm>> -> memref<4096xi32, #tpu.memory_space<hbm>>
        %dma_wait3A_24 = arith.constant 0 : i32
        %dma_wait3A_25 = tpu.memref_slice %arg2[%add3A, %dma_wait3A_24] : memref<8x4096xi32, #tpu.memory_space<hbm>> -> memref<1x4096xi32, #tpu.memory_space<hbm>>
        %dma_wait3A_26 = tpu.memref_squeeze %dma_wait3A_25 : memref<1x4096xi32, #tpu.memory_space<hbm>> -> memref<4096xi32, #tpu.memory_space<hbm>>
        tpu.wait_dma2 semaphore(%run_scoped3A : memref<!tpu.dma_semaphore, #tpu.memory_space<semaphore_mem>>) src(%dma_wait3A_26 : memref<4096xi32, #tpu.memory_space<hbm>>) dst(%arg4 : memref<4096xi32, #tpu.memory_space<vmem>>)
        tpu.yield
      }) : () -> ()
      %broadcast_in_dim3A = arith.constant 0.000000e+00 : f32
      %broadcast_in_dim3A_3 = vector.broadcast %broadcast_in_dim3A : f32 to vector<16xf32>
      %scan3A = arith.constant 0 : i32
      %scan3A_4 = arith.constant 0 : i32
      %scan3A_5 = arith.constant 128 : i32
      %scan3A_6 = arith.addi %scan3A_4, %scan3A_5 : i32
      %scan3A_7 = arith.constant 1 : i32
      scf.for %scan3A_17 = %scan3A_4 to %scan3A_6 step %scan3A_7  : i32 {
        %mul3A_18 = arith.constant 16 : i32
        %mul3A_19 = arith.muli %scan3A_17, %mul3A_18 : i32
        %swap3A = arith.index_cast %mul3A_19 : i32 to index
        %swap3A_20 = tpu.vector_load %arg5[%swap3A] {strides = array<i32>} : memref<2048xf32, #tpu.memory_space<vmem>>, vector<16xf32>,
        tpu.vector_store %arg5[%swap3A], %broadcast_in_dim3A_3 {strides = array<i32>} : memref<2048xf32, #tpu.memory_space<vmem>>, vector<16xf32>,
      }
      %scan3A_8 = arith.constant 128 : i32
      %broadcast_in_dim3A_9 = arith.constant 1.000000e+00 : f32
      %broadcast_in_dim3A_10 = vector.broadcast %broadcast_in_dim3A_9 : f32 to vector<16xf32>
      %scan3A_11 = arith.constant 0 : i32
      %scan3A_12 = arith.constant 0 : i32
      %scan3A_13 = arith.constant 256 : i32
      %scan3A_14 = arith.addi %scan3A_12, %scan3A_13 : i32
      %scan3A_15 = arith.constant 1 : i32
      scf.for %scan3A_17 = %scan3A_12 to %scan3A_14 step %scan3A_15  : i32 {
        %mul3A_18 = arith.constant 16 : i32
        %mul3A_19 = arith.muli %scan3A_17, %mul3A_18 : i32
        %get3A = arith.index_cast %mul3A_19 : i32 to index
        %get3A_20 = tpu.vector_load %arg4[%get3A] {strides = array<i32>} : memref<4096xi32, #tpu.memory_space<vmem>>, vector<16xi32>,
        tpu.vector_store_idx %arg5[%get3A_20], %broadcast_in_dim3A_10 : memref<2048xf32, #tpu.memory_space<vmem>>[vector<16xi32>], vector<16xf32>,
      }
      %scan3A_16 = arith.constant 256 : i32
      "tpu.region"() ({
        %run_scoped3A = tpu.sem_alloc : memref<!tpu.dma_semaphore, #tpu.memory_space<semaphore_mem>>
        %dma_start3A = arith.constant 0 : i32
        %dma_start3A_17 = tpu.memref_slice %arg3[%add3A, %dma_start3A] : memref<8x2048xf32, #tpu.memory_space<hbm>> -> memref<1x2048xf32, #tpu.memory_space<hbm>>
        %dma_start3A_18 = tpu.memref_squeeze %dma_start3A_17 : memref<1x2048xf32, #tpu.memory_space<hbm>> -> memref<2048xf32, #tpu.memory_space<hbm>>
        %dma_start3A_19 = arith.constant 0 : i32
        %dma_start3A_20 = tpu.memref_slice %arg3[%add3A, %dma_start3A_19] : memref<8x2048xf32, #tpu.memory_space<hbm>> -> memref<1x2048xf32, #tpu.memory_space<hbm>>
        %dma_start3A_21 = tpu.memref_squeeze %dma_start3A_20 : memref<1x2048xf32, #tpu.memory_space<hbm>> -> memref<2048xf32, #tpu.memory_space<hbm>>
        tpu.enqueue_dma source(%arg5 : memref<2048xf32, #tpu.memory_space<vmem>>) target(%dma_start3A_21 : memref<2048xf32, #tpu.memory_space<hbm>>) target_semaphore(%run_scoped3A : memref<!tpu.dma_semaphore, #tpu.memory_space<semaphore_mem>>)
        %dma_wait3A = arith.constant 0 : i32
        %dma_wait3A_22 = tpu.memref_slice %arg3[%add3A, %dma_wait3A] : memref<8x2048xf32, #tpu.memory_space<hbm>> -> memref<1x2048xf32, #tpu.memory_space<hbm>>
        %dma_wait3A_23 = tpu.memref_squeeze %dma_wait3A_22 : memref<1x2048xf32, #tpu.memory_space<hbm>> -> memref<2048xf32, #tpu.memory_space<hbm>>
        %dma_wait3A_24 = arith.constant 0 : i32
        %dma_wait3A_25 = tpu.memref_slice %arg3[%add3A, %dma_wait3A_24] : memref<8x2048xf32, #tpu.memory_space<hbm>> -> memref<1x2048xf32, #tpu.memory_space<hbm>>
        %dma_wait3A_26 = tpu.memref_squeeze %dma_wait3A_25 : memref<1x2048xf32, #tpu.memory_space<hbm>> -> memref<2048xf32, #tpu.memory_space<hbm>>
        tpu.wait_dma2 semaphore(%run_scoped3A : memref<!tpu.dma_semaphore, #tpu.memory_space<semaphore_mem>>) src(%arg5 : memref<2048xf32, #tpu.memory_space<vmem>>) dst(%dma_wait3A_26 : memref<2048xf32, #tpu.memory_space<hbm>>)
        tpu.yield
      }) : () -> ()
    } else {
    }
    return
  }
}

module attributes {stable_mosaic.version = 14 : i64} {
  func.func @_retrieval_kernel(%arg0: i32, %arg1: i32, %arg2: memref<1x3x1024xf32, #tpu.memory_space<vmem>>, %arg3: memref<1x2048x3xf32, #tpu.memory_space<vmem>>, %arg4: memref<1x3x2048xf32, #tpu.memory_space<vmem>>, %arg5: memref<1x1x1x1024xi32, #tpu.memory_space<vmem>>, %arg6: memref<2048x1024xf32, #tpu.memory_space<vmem>>, %arg7: memref<2048x1024xf32, #tpu.memory_space<vmem>>) attributes {dimension_semantics = [#tpu.dimension_semantics<arbitrary>, #tpu.dimension_semantics<arbitrary>], iteration_bounds = array<i64: 8, 4>, scalar_prefetch = 0 : i64, scratch_operands = 2 : i64, tpu.core_type = #tpu.core_type<tc>, window_params = [{transform_indices = @transform_0, window_bounds = array<i64: 1, 3, 1024>}, {transform_indices = @transform_1, window_bounds = array<i64: 1, 2048, 3>}, {transform_indices = @transform_2, window_bounds = array<i64: 1, 3, 2048>}, {transform_indices = @transform_3, window_bounds = array<i64: 1, 1, 1, 1024>}]} {
    %eq3A = arith.constant 0 : i32
    %eq3A_0 = arith.cmpi eq, %arg0, %eq3A : i32
    %eq3A_1 = arith.constant 0 : i32
    %eq3A_2 = arith.cmpi eq, %arg1, %eq3A_1 : i32
    %and3A = arith.andi %eq3A_0, %eq3A_2 : i1
    %convert_element_type3A = arith.extui %and3A : i1 to i32
    %cond3A = arith.constant 0 : i32
    %cond3A_3 = arith.cmpi ne, %convert_element_type3A, %cond3A : i32
    scf.if %cond3A_3 {
      %iota3A = tpu.iota {dimensions = array<i32: 0>} : vector<2048x1024xi32>
      %convert_element_type3A_101 = arith.sitofp %iota3A : vector<2048x1024xi32> to vector<2048x1024xf32>
      %swap3A_102 = arith.constant 0 : index
      %swap3A_103 = arith.constant 0 : index
      %swap3A_104 = vector.load %arg7[%swap3A_102, %swap3A_103] : memref<2048x1024xf32, #tpu.memory_space<vmem>>, vector<2048x1024xf32>
      tpu.vector_store %arg7[%swap3A_102, %swap3A_103], %convert_element_type3A_101 {strides = array<i32>} : memref<2048x1024xf32, #tpu.memory_space<vmem>>, vector<2048x1024xf32>,
    } else {
    }
    %eq3A_4 = arith.constant 0 : i32
    %eq3A_5 = arith.cmpi eq, %arg1, %eq3A_4 : i32
    %convert_element_type3A_6 = arith.extui %eq3A_5 : i1 to i32
    %cond3A_7 = arith.constant 0 : i32
    %cond3A_8 = arith.cmpi ne, %convert_element_type3A_6, %cond3A_7 : i32
    scf.if %cond3A_8 {
      %get3A_101 = arith.constant 0 : index
      %get3A_102 = arith.constant 0 : index
      %get3A_103 = arith.constant 0 : index
      %get3A_104 = vector.load %arg4[%get3A_101, %get3A_102, %get3A_103] : memref<1x3x2048xf32, #tpu.memory_space<vmem>>, vector<1x3x2048xf32>
      %get3A_105 = vector.shape_cast %get3A_104 : vector<1x3x2048xf32> to vector<3x2048xf32>
      %slice3A_106 = vector.extract_strided_slice %get3A_105 {offsets = [0, 0], sizes = [1, 2048], strides = [1, 1]} : vector<3x2048xf32> to vector<1x2048xf32>
      %squeeze3A_107 = vector.shape_cast %slice3A_106 : vector<1x2048xf32> to vector<2048xf32>
      %slice3A_108 = vector.extract_strided_slice %get3A_105 {offsets = [0, 0], sizes = [1, 2048], strides = [1, 1]} : vector<3x2048xf32> to vector<1x2048xf32>
      %squeeze3A_109 = vector.shape_cast %slice3A_108 : vector<1x2048xf32> to vector<2048xf32>
      %mul3A_110 = arith.mulf %squeeze3A_107, %squeeze3A_109 : vector<2048xf32>
      %slice3A_111 = vector.extract_strided_slice %get3A_105 {offsets = [1, 0], sizes = [1, 2048], strides = [1, 1]} : vector<3x2048xf32> to vector<1x2048xf32>
      %squeeze3A_112 = vector.shape_cast %slice3A_111 : vector<1x2048xf32> to vector<2048xf32>
      %slice3A_113 = vector.extract_strided_slice %get3A_105 {offsets = [1, 0], sizes = [1, 2048], strides = [1, 1]} : vector<3x2048xf32> to vector<1x2048xf32>
      %squeeze3A_114 = vector.shape_cast %slice3A_113 : vector<1x2048xf32> to vector<2048xf32>
      %mul3A_115 = arith.mulf %squeeze3A_112, %squeeze3A_114 : vector<2048xf32>
      %add3A_116 = arith.addf %mul3A_110, %mul3A_115 : vector<2048xf32>
      %slice3A_117 = vector.extract_strided_slice %get3A_105 {offsets = [2, 0], sizes = [1, 2048], strides = [1, 1]} : vector<3x2048xf32> to vector<1x2048xf32>
      %squeeze3A_118 = vector.shape_cast %slice3A_117 : vector<1x2048xf32> to vector<2048xf32>
      %slice3A_119 = vector.extract_strided_slice %get3A_105 {offsets = [2, 0], sizes = [1, 2048], strides = [1, 1]} : vector<3x2048xf32> to vector<1x2048xf32>
      %squeeze3A_120 = vector.shape_cast %slice3A_119 : vector<1x2048xf32> to vector<2048xf32>
      %mul3A_121 = arith.mulf %squeeze3A_118, %squeeze3A_120 : vector<2048xf32>
      %add3A_122 = arith.addf %add3A_116, %mul3A_121 : vector<2048xf32>
      %broadcast_in_dim3A_123 = vector.shape_cast %add3A_122 : vector<2048xf32> to vector<2048x1xf32>
      %broadcast_in_dim3A_124 = vector.shape_cast %broadcast_in_dim3A_123 : vector<2048x1xf32> to vector<2048x1xf32>
      %broadcast_in_dim3A_125 = vector.broadcast %broadcast_in_dim3A_124 : vector<2048x1xf32> to vector<2048x1024xf32>
      %swap3A_126 = arith.constant 0 : index
      %swap3A_127 = arith.constant 0 : index
      %swap3A_128 = vector.load %arg6[%swap3A_126, %swap3A_127] : memref<2048x1024xf32, #tpu.memory_space<vmem>>, vector<2048x1024xf32>
      tpu.vector_store %arg6[%swap3A_126, %swap3A_127], %broadcast_in_dim3A_125 {strides = array<i32>} : memref<2048x1024xf32, #tpu.memory_space<vmem>>, vector<2048x1024xf32>,
    } else {
    }
    %get3A = arith.constant 0 : index
    %get3A_9 = arith.constant 0 : index
    %get3A_10 = arith.constant 0 : index
    %get3A_11 = vector.load %arg2[%get3A, %get3A_9, %get3A_10] : memref<1x3x1024xf32, #tpu.memory_space<vmem>>, vector<1x3x1024xf32>
    %get3A_12 = vector.shape_cast %get3A_11 : vector<1x3x1024xf32> to vector<3x1024xf32>
    %get3A_13 = arith.constant 0 : index
    %get3A_14 = arith.constant 0 : index
    %get3A_15 = arith.constant 0 : index
    %get3A_16 = vector.load %arg3[%get3A_13, %get3A_14, %get3A_15] : memref<1x2048x3xf32, #tpu.memory_space<vmem>>, vector<1x2048x3xf32>
    %get3A_17 = vector.shape_cast %get3A_16 : vector<1x2048x3xf32> to vector<2048x3xf32>
    %slice3A = vector.extract_strided_slice %get3A_12 {offsets = [0, 0], sizes = [1, 1024], strides = [1, 1]} : vector<3x1024xf32> to vector<1x1024xf32>
    %squeeze3A = vector.shape_cast %slice3A : vector<1x1024xf32> to vector<1024xf32>
    %slice3A_18 = vector.extract_strided_slice %get3A_12 {offsets = [0, 0], sizes = [1, 1024], strides = [1, 1]} : vector<3x1024xf32> to vector<1x1024xf32>
    %squeeze3A_19 = vector.shape_cast %slice3A_18 : vector<1x1024xf32> to vector<1024xf32>
    %mul3A = arith.mulf %squeeze3A, %squeeze3A_19 : vector<1024xf32>
    %slice3A_20 = vector.extract_strided_slice %get3A_12 {offsets = [1, 0], sizes = [1, 1024], strides = [1, 1]} : vector<3x1024xf32> to vector<1x1024xf32>
    %squeeze3A_21 = vector.shape_cast %slice3A_20 : vector<1x1024xf32> to vector<1024xf32>
    %slice3A_22 = vector.extract_strided_slice %get3A_12 {offsets = [1, 0], sizes = [1, 1024], strides = [1, 1]} : vector<3x1024xf32> to vector<1x1024xf32>
    %squeeze3A_23 = vector.shape_cast %slice3A_22 : vector<1x1024xf32> to vector<1024xf32>
    %mul3A_24 = arith.mulf %squeeze3A_21, %squeeze3A_23 : vector<1024xf32>
    %add3A = arith.addf %mul3A, %mul3A_24 : vector<1024xf32>
    %slice3A_25 = vector.extract_strided_slice %get3A_12 {offsets = [2, 0], sizes = [1, 1024], strides = [1, 1]} : vector<3x1024xf32> to vector<1x1024xf32>
    %squeeze3A_26 = vector.shape_cast %slice3A_25 : vector<1x1024xf32> to vector<1024xf32>
    %slice3A_27 = vector.extract_strided_slice %get3A_12 {offsets = [2, 0], sizes = [1, 1024], strides = [1, 1]} : vector<3x1024xf32> to vector<1x1024xf32>
    %squeeze3A_28 = vector.shape_cast %slice3A_27 : vector<1x1024xf32> to vector<1024xf32>
    %mul3A_29 = arith.mulf %squeeze3A_26, %squeeze3A_28 : vector<1024xf32>
    %add3A_30 = arith.addf %add3A, %mul3A_29 : vector<1024xf32>
    %mul3A_31 = arith.constant -2.000000e+00 : f32
    %mul3A_32 = vector.broadcast %mul3A_31 : f32 to vector<2048x3xf32>
    %mul3A_33 = arith.mulf %get3A_17, %mul3A_32 : vector<2048x3xf32>
    %dot_general3A = arith.constant dense<0.000000e+00> : vector<2048x1024xf32>
    %dot_general3A_34 = tpu.matmul %mul3A_33, %get3A_12, %dot_general3A {dimension_numbers = #tpu.dot_dimension_numbers<[1], [0], [0], [1], [0, 0, 1, 1], [], []>, transpose_lhs_hint = false} : vector<2048x3xf32>, vector<3x1024xf32>, vector<2048x1024xf32> -> vector<2048x1024xf32>
    %broadcast_in_dim3A = vector.shape_cast %add3A_30 : vector<1024xf32> to vector<1x1024xf32>
    %get3A_35 = arith.constant 0 : index
    %get3A_36 = arith.constant 0 : index
    %get3A_37 = vector.load %arg6[%get3A_35, %get3A_36] : memref<2048x1024xf32, #tpu.memory_space<vmem>>, vector<2048x1024xf32>
    %add3A_38 = vector.broadcast %broadcast_in_dim3A : vector<1x1024xf32> to vector<2048x1024xf32>
    %add3A_39 = arith.addf %add3A_38, %get3A_37 : vector<2048x1024xf32>
    %add3A_40 = arith.addf %add3A_39, %dot_general3A_34 : vector<2048x1024xf32>
    %reduce_min3A = arith.constant dense<0x7F800000> : vector<1024xf32>
    %reduce_min3A_41 = vector.multi_reduction <minimumf>, %add3A_40, %reduce_min3A [0] : vector<2048x1024xf32> to vector<1024xf32>
    %max3A = arith.constant 0.000000e+00 : f32
    %max3A_42 = vector.broadcast %max3A : f32 to vector<1024xf32>
    %max3A_43 = arith.maximumf %reduce_min3A_41, %max3A_42 : vector<1024xf32>
    %sqrt3A = math.sqrt %max3A_43 : vector<1024xf32>
    %bitcast_convert_type3A = tpu.bitcast %max3A_43 : vector<1024xf32> -> vector<1024xi32>
    %add3A_44 = arith.constant 1 : i32
    %add3A_45 = vector.broadcast %add3A_44 : i32 to vector<1024xi32>
    %add3A_46 = arith.addi %bitcast_convert_type3A, %add3A_45 : vector<1024xi32>
    %bitcast_convert_type3A_47 = tpu.bitcast %add3A_46 : vector<1024xi32> -> vector<1024xf32>
    %sqrt3A_48 = math.sqrt %bitcast_convert_type3A_47 : vector<1024xf32>
    %eq3A_49 = arith.cmpf oeq, %sqrt3A_48, %sqrt3A : vector<1024xf32>
    %select_n3A = arith.select %eq3A_49, %bitcast_convert_type3A_47, %max3A_43 : vector<1024xi1>, vector<1024xf32>
    %add3A_50 = arith.constant 2 : i32
    %add3A_51 = vector.broadcast %add3A_50 : i32 to vector<1024xi32>
    %add3A_52 = arith.addi %bitcast_convert_type3A, %add3A_51 : vector<1024xi32>
    %bitcast_convert_type3A_53 = tpu.bitcast %add3A_52 : vector<1024xi32> -> vector<1024xf32>
    %sqrt3A_54 = math.sqrt %bitcast_convert_type3A_53 : vector<1024xf32>
    %eq3A_55 = arith.cmpf oeq, %sqrt3A_54, %sqrt3A : vector<1024xf32>
    %select_n3A_56 = arith.select %eq3A_55, %bitcast_convert_type3A_53, %select_n3A : vector<1024xi1>, vector<1024xf32>
    %add3A_57 = arith.constant 3 : i32
    %add3A_58 = vector.broadcast %add3A_57 : i32 to vector<1024xi32>
    %add3A_59 = arith.addi %bitcast_convert_type3A, %add3A_58 : vector<1024xi32>
    %bitcast_convert_type3A_60 = tpu.bitcast %add3A_59 : vector<1024xi32> -> vector<1024xf32>
    %sqrt3A_61 = math.sqrt %bitcast_convert_type3A_60 : vector<1024xf32>
    %eq3A_62 = arith.cmpf oeq, %sqrt3A_61, %sqrt3A : vector<1024xf32>
    %select_n3A_63 = arith.select %eq3A_62, %bitcast_convert_type3A_60, %select_n3A_56 : vector<1024xi1>, vector<1024xf32>
    %add3A_64 = arith.constant 4 : i32
    %add3A_65 = vector.broadcast %add3A_64 : i32 to vector<1024xi32>
    %add3A_66 = arith.addi %bitcast_convert_type3A, %add3A_65 : vector<1024xi32>
    %bitcast_convert_type3A_67 = tpu.bitcast %add3A_66 : vector<1024xi32> -> vector<1024xf32>
    %sqrt3A_68 = math.sqrt %bitcast_convert_type3A_67 : vector<1024xf32>
    %eq3A_69 = arith.cmpf oeq, %sqrt3A_68, %sqrt3A : vector<1024xf32>
    %select_n3A_70 = arith.select %eq3A_69, %bitcast_convert_type3A_67, %select_n3A_63 : vector<1024xi1>, vector<1024xf32>
    %add3A_71 = arith.constant 5 : i32
    %add3A_72 = vector.broadcast %add3A_71 : i32 to vector<1024xi32>
    %add3A_73 = arith.addi %bitcast_convert_type3A, %add3A_72 : vector<1024xi32>
    %bitcast_convert_type3A_74 = tpu.bitcast %add3A_73 : vector<1024xi32> -> vector<1024xf32>
    %sqrt3A_75 = math.sqrt %bitcast_convert_type3A_74 : vector<1024xf32>
    %eq3A_76 = arith.cmpf oeq, %sqrt3A_75, %sqrt3A : vector<1024xf32>
    %select_n3A_77 = arith.select %eq3A_76, %bitcast_convert_type3A_74, %select_n3A_70 : vector<1024xi1>, vector<1024xf32>
    %add3A_78 = arith.constant 6 : i32
    %add3A_79 = vector.broadcast %add3A_78 : i32 to vector<1024xi32>
    %add3A_80 = arith.addi %bitcast_convert_type3A, %add3A_79 : vector<1024xi32>
    %bitcast_convert_type3A_81 = tpu.bitcast %add3A_80 : vector<1024xi32> -> vector<1024xf32>
    %sqrt3A_82 = math.sqrt %bitcast_convert_type3A_81 : vector<1024xf32>
    %eq3A_83 = arith.cmpf oeq, %sqrt3A_82, %sqrt3A : vector<1024xf32>
    %select_n3A_84 = arith.select %eq3A_83, %bitcast_convert_type3A_81, %select_n3A_77 : vector<1024xi1>, vector<1024xf32>
    %broadcast_in_dim3A_85 = vector.shape_cast %select_n3A_84 : vector<1024xf32> to vector<1x1024xf32>
    %le3A = vector.broadcast %broadcast_in_dim3A_85 : vector<1x1024xf32> to vector<2048x1024xf32>
    %le3A_86 = arith.cmpf ole, %add3A_40, %le3A : vector<2048x1024xf32>
    %get3A_87 = arith.constant 0 : index
    %get3A_88 = arith.constant 0 : index
    %get3A_89 = vector.load %arg7[%get3A_87, %get3A_88] : memref<2048x1024xf32, #tpu.memory_space<vmem>>, vector<2048x1024xf32>
    %jit3A = arith.constant 2.048000e+03 : f32
    %broadcast_in_dim3A_90 = vector.broadcast %jit3A : f32 to vector<2048x1024xf32>
    %select_n3A_91 = arith.select %le3A_86, %get3A_89, %broadcast_in_dim3A_90 : vector<2048x1024xi1>, vector<2048x1024xf32>
    %reduce_min3A_92 = arith.constant dense<0x7F800000> : vector<1024xf32>
    %reduce_min3A_93 = vector.multi_reduction <minimumf>, %select_n3A_91, %reduce_min3A_92 [0] : vector<2048x1024xf32> to vector<1024xf32>
    %convert_element_type3A_94 = arith.fptosi %reduce_min3A_93 : vector<1024xf32> to vector<1024xi32>
    %swap3A = arith.constant 0 : index
    %swap3A_95 = arith.constant 0 : index
    %swap3A_96 = arith.constant 0 : index
    %swap3A_97 = arith.constant 0 : index
    %swap3A_98 = vector.load %arg5[%swap3A, %swap3A_95, %swap3A_96, %swap3A_97] : memref<1x1x1x1024xi32, #tpu.memory_space<vmem>>, vector<1x1x1x1024xi32>
    %swap3A_99 = vector.shape_cast %swap3A_98 : vector<1x1x1x1024xi32> to vector<1024xi32>
    %swap3A_100 = vector.shape_cast %convert_element_type3A_94 : vector<1024xi32> to vector<1x1x1x1024xi32>
    tpu.vector_store %arg5[%swap3A, %swap3A_95, %swap3A_96, %swap3A_97], %swap3A_100 {strides = array<i32>} : memref<1x1x1x1024xi32, #tpu.memory_space<vmem>>, vector<1x1x1x1024xi32>,
    return
  }
  func.func @transform_0(%arg0: i32, %arg1: i32) -> (i32, i32, i32) {
    %c0_i32 = arith.constant 0 : i32
    %c0_i32_0 = arith.constant 0 : i32
    return %arg0, %c0_i32, %arg1 : i32, i32, i32
  }
  func.func @transform_1(%arg0: i32, %arg1: i32) -> (i32, i32, i32) {
    %c0_i32 = arith.constant 0 : i32
    %c0_i32_0 = arith.constant 0 : i32
    %c0_i32_1 = arith.constant 0 : i32
    return %arg0, %c0_i32, %c0_i32_0 : i32, i32, i32
  }
  func.func @transform_2(%arg0: i32, %arg1: i32) -> (i32, i32, i32) {
    %c0_i32 = arith.constant 0 : i32
    %c0_i32_0 = arith.constant 0 : i32
    %c0_i32_1 = arith.constant 0 : i32
    return %arg0, %c0_i32, %c0_i32_0 : i32, i32, i32
  }
  func.func @transform_3(%arg0: i32, %arg1: i32) -> (i32, i32, i32, i32) {
    %c0_i32 = arith.constant 0 : i32
    %c0_i32_0 = arith.constant 0 : i32
    %c0_i32_1 = arith.constant 0 : i32
    return %arg0, %arg1, %c0_i32, %c0_i32_0 : i32, i32, i32, i32
  }
}

module attributes {stable_mosaic.version = 14 : i64} {
  func.func @_embsum_mlp_kernel(%arg0: memref<8x2048xf32, #tpu.memory_space<vmem>>, %arg1: memref<8x2048x128xf32, #tpu.memory_space<vmem>>, %arg2: memref<128x128xf32, #tpu.memory_space<vmem>>, %arg3: memref<128xf32, #tpu.memory_space<vmem>>, %arg4: memref<128x7xf32, #tpu.memory_space<vmem>>, %arg5: memref<7xf32, #tpu.memory_space<vmem>>, %arg6: memref<8x7xf32, #tpu.memory_space<vmem>>) attributes {dimension_semantics = [], scalar_prefetch = 0 : i64, scratch_operands = 0 : i64, tpu.core_type = #tpu.core_type<tc>} {
    %get3A = arith.constant 0 : index
    %get3A_0 = arith.constant 0 : index
    %get3A_1 = arith.constant 0 : index
    %get3A_2 = vector.load %arg1[%get3A, %get3A_0, %get3A_1] : memref<8x2048x128xf32, #tpu.memory_space<vmem>>, vector<8x2048x128xf32>
    %get3A_3 = arith.constant 0 : index
    %get3A_4 = arith.constant 0 : index
    %get3A_5 = vector.load %arg0[%get3A_3, %get3A_4] : memref<8x2048xf32, #tpu.memory_space<vmem>>, vector<8x2048xf32>
    %broadcast_in_dim3A = vector.shape_cast %get3A_5 : vector<8x2048xf32> to vector<8x2048x1xf32>
    %mul3A = vector.broadcast %broadcast_in_dim3A : vector<8x2048x1xf32> to vector<8x2048x128xf32>
    %mul3A_6 = arith.mulf %get3A_2, %mul3A : vector<8x2048x128xf32>
    %reduce_sum3A = arith.constant dense<0.000000e+00> : vector<8x128xf32>
    %reduce_sum3A_7 = vector.multi_reduction <add>, %mul3A_6, %reduce_sum3A [1] : vector<8x2048x128xf32> to vector<8x128xf32>
    %get3A_8 = arith.constant 0 : index
    %get3A_9 = arith.constant 0 : index
    %get3A_10 = vector.load %arg2[%get3A_8, %get3A_9] : memref<128x128xf32, #tpu.memory_space<vmem>>, vector<128x128xf32>
    %dot_general3A = arith.constant dense<0.000000e+00> : vector<8x128xf32>
    %dot_general3A_11 = tpu.matmul %reduce_sum3A_7, %get3A_10, %dot_general3A {dimension_numbers = #tpu.dot_dimension_numbers<[1], [0], [0], [1], [0, 0, 1, 1], [], []>, transpose_lhs_hint = false} : vector<8x128xf32>, vector<128x128xf32>, vector<8x128xf32> -> vector<8x128xf32>
    %get3A_12 = arith.constant 0 : index
    %get3A_13 = vector.load %arg3[%get3A_12] : memref<128xf32, #tpu.memory_space<vmem>>, vector<128xf32>
    %broadcast_in_dim3A_14 = vector.shape_cast %get3A_13 : vector<128xf32> to vector<1x128xf32>
    %add3A = vector.broadcast %broadcast_in_dim3A_14 : vector<1x128xf32> to vector<8x128xf32>
    %add3A_15 = arith.addf %dot_general3A_11, %add3A : vector<8x128xf32>
    %max3A = arith.constant 0.000000e+00 : f32
    %max3A_16 = vector.broadcast %max3A : f32 to vector<8x128xf32>
    %max3A_17 = arith.maximumf %add3A_15, %max3A_16 : vector<8x128xf32>
    %get3A_18 = arith.constant 0 : index
    %get3A_19 = arith.constant 0 : index
    %get3A_20 = vector.load %arg4[%get3A_18, %get3A_19] : memref<128x7xf32, #tpu.memory_space<vmem>>, vector<128x7xf32>
    %dot_general3A_21 = arith.constant dense<0.000000e+00> : vector<8x7xf32>
    %dot_general3A_22 = tpu.matmul %max3A_17, %get3A_20, %dot_general3A_21 {dimension_numbers = #tpu.dot_dimension_numbers<[1], [0], [0], [1], [0, 0, 1, 1], [], []>, transpose_lhs_hint = false} : vector<8x128xf32>, vector<128x7xf32>, vector<8x7xf32> -> vector<8x7xf32>
    %get3A_23 = arith.constant 0 : index
    %get3A_24 = vector.load %arg5[%get3A_23] : memref<7xf32, #tpu.memory_space<vmem>>, vector<7xf32>
    %broadcast_in_dim3A_25 = vector.shape_cast %get3A_24 : vector<7xf32> to vector<1x7xf32>
    %add3A_26 = vector.broadcast %broadcast_in_dim3A_25 : vector<1x7xf32> to vector<8x7xf32>
    %add3A_27 = arith.addf %dot_general3A_22, %add3A_26 : vector<8x7xf32>
    %swap3A = arith.constant 0 : index
    %swap3A_28 = arith.constant 0 : index
    %swap3A_29 = vector.load %arg6[%swap3A, %swap3A_28] : memref<8x7xf32, #tpu.memory_space<vmem>>, vector<8x7xf32>
    tpu.vector_store %arg6[%swap3A, %swap3A_28], %add3A_27 {strides = array<i32>} : memref<8x7xf32, #tpu.memory_space<vmem>>, vector<8x7xf32>,
    return
  }
}

</mosaic_0001>

<sc_bundles>
// kernel: kernel.5.cloned.1.call-start
scs
__scs_entry_jumppad:
0x0: {  	(pc) =	sbr.rel $0x88, $3  }
0x1: {  	(tag) =	ssettag $0x0;
	lr =	simm.s32 $0x1  }
0x2: {  	[smem:$0x3F9A] =	sst lr;
	_ =	strace $0xD0000000  }
0x3: {  	_ = 	snop  }
0x4: {  	_ = 	snop  }
0x5: {  	_ = 	snop  }
0x6: {  	_ = 	snop  }
0x7: {  	_ = 	snop  }
__scs_overlays_trampoline_lowered:
0x8: {  	[smem:$0x3FA9] =	sst s0  }
0x9: {  	[smem:$0x3FAA] =	sst s1  }
0xa: {  	[smem:$0x3FAB] =	sst s2  }
0xb: {  	[smem:$0x3FAC] =	sst s3  }
0xc: {  	[smem:$0x3FAD] =	sst s4  }
0xd: {  	[smem:$0x3FAE] =	sst s5  }
0xe: {  	[smem:$0x3FAF] =	sst s6  }
0xf: {  	[smem:$0x3FB0] =	sst s7  }
0x10: {  	[smem:$0x3FB1] =	sst s8  }
0x11: {  	[smem:$0x3FB2] =	sst s9;
	s0 =	simm.s32 @!p0 $0x0  }
0x12: {  	s1 =	sld [smem:$0x3F98];
	s0 =	simm.s32 @p0 $0x1  }
0x13: {  	[smem:$0x3FB3] =	sst s0;
	s0 =	simm.s32 @!p1 $0x0  }
0x14: {  	s2 =	sld [smem:$0x3F97];
	s0 =	simm.s32 @p1 $0x1  }
0x15: {  	[smem:$0x3FB4] =	sst s0;
	s0 =	simm.s32 @!p2 $0x0  }
0x16: {  	s3 =	sld [smem:$0x3FDB];
	s0 =	simm.s32 @p2 $0x1  }
0x17: {  	s4 =	simm.s32 $0x1BF5;
	[smem:$0x3FB6] =	sst s0  }
0x18: {  	s0 =	sld [smem:$0x3F99];
	_ =	swait.ge [sflag:s4], $0x0  }
0x19: {  	s7 =	sld [smem:$0x3F9A]  }
0x1a: {  	s8 =	sadd.s32 $0xFFFFE003, lr  }
0x1b: {  	s9 =	sadd.s32 $0xFFFFFEF7, lr;
	s5 =	simm.s32 $0xFFFFFFFF;
	p2 =	slt.u32 s8, $0xFFFFF086  }
0x1c: {  	p1 =	slt.u32 s9, $0xF7A;
	s5 =	simm.s32 @!p2 $0x0  }
0x1d: {  	s5 =	simm.s32 @p1 $0x1;
	p0 =	seq.s32 s7, s2  }
0x1e: {  	s7 =	smul.u32 @!p0 $0xF7A, s2;
	p2 =	seq.s32 @!p0 s5, $0x0  }
0x1f: {  	s9 =	smul.u32 $0xF7A, s1;
	s8 =	simm.s32 @!p0 $0x1BF5;
	p2 =	por !p2, p0  }
0x20: {  	[sflag:s8] =	ssyncset.s32 @!p0 $0xFFFFF086;
	s6 =	sadd.s32 @!p0 s3, s7;
	s7 =	simm.s32 @!p0 $0x108  }
0x21: {  	s3 =	sadd.s32 s3, s9;
	s6 =	sadd.s32 @!p0 $0x88, s6;
	s7 =	simm.s32 @p2 $0x1082  }
0x22: {  	[simem:s7], [sflag:s8] =	dma.local @!p0 [hbm:s6], $0xF7A  }
0x23: {  	s9 =	sor.u32 $0xD0000000, s2;
	s6 =	simm.s32 $0x108;
	_ =	swait.ge @!p0 [sflag:s8], $0x0  }
0x24: {  	s3 =	sadd.s32 $0x88, s3;
	s6 =	simm.s32 @!p1 $0x1082;
	[sflag:s4] =	ssyncset.s32 $0xFFFFF086  }
0x25: {  	[simem:s6], [sflag:s4] =	dma.local [hbm:s3], $0xF7A  }
0x26: {  	[smem:$0x3F9A] =	sst s1;
	(tag) =	ssettag s2;
	_ =	strace s9  }
0x27: {  	s1 =	sld [smem:$0x3FAA]  }
0x28: {  	s2 =	sld [smem:$0x3FAB]  }
0x29: {  	s4 =	sld [smem:$0x3FAD]  }
0x2a: {  	p0 =	seq.s32 s5, $0x0;
	s5 =	sld [smem:$0x3FAE]  }
0x2b: {  	s6 =	sld [smem:$0x3FAF]  }
0x2c: {  	s7 =	sld [smem:$0x3FB0]  }
0x2d: {  	s3 =	simm.s32 $0x108;
	s8 =	sld [smem:$0x3FB1]  }
0x2e: {  	s3 =	simm.s32 @!p0 $0x1082;
	s9 =	sld [smem:$0x3FB2]  }
0x2f: {  	lr =	sadd.s32 s0, s3;
	s0 =	sld [smem:$0x3FA9]  }
0x30: {  	s3 =	sld [smem:$0x3FAC]  }
0x31: {  	[smem:$0x3FB5] =	sst s10  }
0x32: {  	s10 =	sld [smem:$0x3FB3];
	_ =	sdelay $0x3  }
0x33: {  	p0 =	seq.s32 s10, $0x1;
	s10 =	sld [smem:$0x3FB5];
	_ =	sdelay $0x3  }
0x34: {  	[smem:$0x3FB5] =	sst s10  }
0x35: {  	s10 =	sld [smem:$0x3FB4];
	_ =	sdelay $0x3  }
0x36: {  	p1 =	seq.s32 s10, $0x1;
	s10 =	sld [smem:$0x3FB5];
	_ =	sdelay $0x3  }
0x37: {  	[smem:$0x3FB5] =	sst s10  }
0x38: {  	s10 =	sld [smem:$0x3FB6]  }
0x39: {  	_ = 	snop;
	(pc) =	sbr.ind lr, $3  }
0x3a: {  	_ = 	snop  }
0x3b: {  	_ = 	snop  }
0x3c: {  	p2 =	seq.s32 s10, $0x1;
	s10 =	sld [smem:$0x3FB5]  }
0x3d: {  	_ =	shalt  }
0x3e: {  	_ =	shalt  }
0x3f: {  	_ =	shalt  }
0x40: {  	_ =	shalt  }
0x41: {  	_ =	shalt  }
0x42: {  	_ =	shalt  }
0x43: {  	_ =	shalt  }
0x44: {  	_ =	shalt  }
0x45: {  	_ =	shalt  }
0x46: {  	_ =	shalt  }
0x47: {  	_ =	shalt  }
0x48: {  	_ =	shalt  }
0x49: {  	_ =	shalt  }
0x4a: {  	_ =	shalt  }
0x4b: {  	_ =	shalt  }
0x4c: {  	_ =	shalt  }
0x4d: {  	_ =	shalt  }
0x4e: {  	_ =	shalt  }
0x4f: {  	_ =	shalt  }
0x50: {  	_ =	shalt  }
0x51: {  	_ =	shalt  }
0x52: {  	_ =	shalt  }
0x53: {  	_ =	shalt  }
0x54: {  	_ =	shalt  }
0x55: {  	_ =	shalt  }
0x56: {  	_ =	shalt  }
0x57: {  	_ =	shalt  }
0x58: {  	_ =	shalt  }
0x59: {  	_ =	shalt  }
0x5a: {  	_ =	shalt  }
0x5b: {  	_ =	shalt  }
0x5c: {  	_ =	shalt  }
0x5d: {  	_ =	shalt  }
0x5e: {  	_ =	shalt  }
0x5f: {  	_ =	shalt  }
0x60: {  	_ =	shalt  }
0x61: {  	_ =	shalt  }
0x62: {  	_ =	shalt  }
0x63: {  	_ =	shalt  }
0x64: {  	_ =	shalt  }
0x65: {  	_ =	shalt  }
0x66: {  	_ =	shalt  }
0x67: {  	_ =	shalt  }
0x68: {  	_ =	shalt  }
0x69: {  	_ =	shalt  }
0x6a: {  	_ =	shalt  }
0x6b: {  	_ =	shalt  }
0x6c: {  	_ =	shalt  }
0x6d: {  	_ =	shalt  }
0x6e: {  	_ =	shalt  }
0x6f: {  	_ =	shalt  }
0x70: {  	_ =	shalt  }
0x71: {  	_ =	shalt  }
0x72: {  	_ =	shalt  }
0x73: {  	_ =	shalt  }
0x74: {  	_ =	shalt  }
0x75: {  	_ =	shalt  }
0x76: {  	_ =	shalt  }
0x77: {  	_ =	shalt  }
0x78: {  	_ =	shalt  }
0x79: {  	_ =	shalt  }
0x7a: {  	_ =	shalt  }
0x7b: {  	_ =	shalt  }
0x7c: {  	_ =	shalt  }
0x7d: {  	_ =	shalt  }
0x7e: {  	_ =	shalt  }
0x7f: {  	_ =	shalt  }
0x80: {  	_ =	shalt  }
0x81: {  	_ =	shalt  }
0x82: {  	_ =	shalt  }
0x83: {  	_ =	shalt  }
0x84: {  	_ =	shalt  }
0x85: {  	_ =	shalt  }
0x86: {  	_ =	shalt  }
0x87: {  	_ =	shalt  }
.Lfunc_end0:
.L_simem_size_0:
called_computation_lowered:
.L_overlay_start_0:
0x88: {  	s2 =	sld [smem:$0x3FD9]  }
0x89: {  	s3 =	sld [smem:$0x3FFE];
	_ =	sdelay $0x1  }
0x8a: {  	s1 =	srdreg.scid  }
0x8b: {  	s0 =	sand.u32 $0x1, s1  }
0x8c: {  	s16 =	sshll.u32 s0, $0xA;
	s2 =	sadd.s32 s3, s2  }
0x8d: {  	s2 =	sadd.s32 s2, s16  }
0x8e: {  	[smem:$0x3FC1] =	sst s2  }
0x8f: {  	_ = 	snop  }
0x90: {  	(tm) =	ssettm $0x1  }
0x91: {  	s17 =	sld [smem:$0x3FFB];
	_ =	sdelay $0x3  }
0x92: {  	_ =	strace s17  }
0x93: {  	s2 =	sld [smem:$0x3FFC];
	_ =	sdelay $0x3  }
0x94: {  	_ =	strace s2  }
0x95: {  	s2 =	sld [smem:$0x3FFD];
	_ =	sdelay $0x3  }
0x96: {  	_ =	strace s2  }
0x97: {  	_ =	strace $0x8FFFFFFF  }
0x98: {  	s18 =	sld [smem:$0x3FDB];
	_ =	sdelay $0x1  }
0x99: {  	s19 =	simm.s32 $_scs_section_size  }
0x9a: {  	s4 =	simm.s32 $_size__tile_overlayer_lowered;
	s5 =	simm.s32 $_tile_overlayer_lowered  }
0x9b: {  	s22 =	simm.s32 $0x1BFF;
	s21 =	sshll.u32 s5, $0x1;
	s2 =	sadd.s32 s19, s18  }
0x9c: {  	s6 =	simm.s32 $0x0;
	s20 =	sshll.u32 s4, $0x1;
	s4 =	sadd.s32 s21, s2  }
0x9d: {  	[timem:s6], [sflag:s22] =	dma.local [hbm:s4], s20  }
0x9e: {  	_ =	swait.ge [sflag:s22], s20  }
0x9f: {  	s3 =	ssub.s32 $0x0, s20;
	[sflag:s22] =	ssyncset.done $0x0  }
0xa0: {  	[sflag:s22] =	ssyncadd.s32 s3;
	_ =	sdelay $0x1  }
0xa1: {  	s23 =	simm.s32 $0x1B8B  }
0xa2: {  	_ =	swait.ge [sflag:s23], $0x1  }
0xa3: {  	[sflag:s23] =	ssyncset.done $0x0  }
0xa4: {  	s25 =	simm.s32 $0x1B8E;
	s24 =	sld [smem:$0x3FFE];
	[sflag:s23] =	ssyncadd.s32 $0xFFFFFFFF  }
0xa5: {  	s26 =	simm.s32 $execute0_lowered;
	[smem:$0x3FD2] =	sst s25  }
0xa6: {  	s4 =	sshll.u32 s26, $0x1;
	_ =	strace $0x80000046;
	[dreg:$0x1] =	wrdreg $0xFFFFFFFF  }
0xa7: {  	s28 =	simm.s32 $_size_execute0_lowered;
	s2 =	sadd.s32 s2, s4;
	[dreg:$0x0] =	wrdreg $0x0  }
0xa8: {  	s4 =	sshll.u32 s28, $0x1;
	[dreg:$0x2] =	wrdreg s2  }
0xa9: {  	[dreg:$0x3] =	wrdreg s4  }
0xaa: {  	[dreg:$0x4] =	wrdreg $0xC0  }
0xab: {  	_ =	task [dreg:s6], $0x5FFFF  }
0xac: {  	[dreg:$0x1] =	wrdreg $0xFFFFFFFF  }
0xad: {  	[dreg:$0x0] =	wrdreg $0x60  }
0xae: {  	[dreg:$0x2] =	wrdreg s24  }
0xaf: {  	[dreg:$0x3] =	wrdreg $0x9  }
0xb0: {  	_ =	task.clear_ibuf [dreg:s6], $0x4FFFF;
	_ =	strace $0x90000046  }
0xb1: {  	s29 =	simm.s32 $0x9;
	_ =	strace $0x80000048  }
0xb2: {  	_ =	swait.ge [sflag:s29], $0x1  }
0xb3: {  	[sflag:s29] =	ssyncadd.s32 $0xFFFFFFFF  }
0xb4: {  	_ =	strace $0x90000048  }
0xb5: {  	_ =	sfence  }
0xb6: {  	s30 =	sld [smem:$0x0];
	_ =	sdelay $0x2  }
0xb7: {  	s31 =	sshll.u32 s1, $0xD;
	s1 =	sshrl.u32 s1, $0x2  }
0xb8: {  	s3 =	sand.u32 $0x4000, s31;
	s1 =	sadd.s32 s1, s30  }
0xb9: {  	s0 =	sor.u32 s3, s0;
	s1 =	sshll.u32 s1, $0x11  }
0xba: {  	s0 =	sor.u32 s1, s0  }
0xbb: {  	s0 =	sadd.s32 $0x8F2B, s0  }
0xbc: {  	[sflag:s0] =	ssyncadd.remote.s32 $0x1  }
0xbd: {  	_ =	sfence.sel $0xFFFF  }
0xbe: {  	[dreg:$0x0] =	wrdreg $0xFFFFFFFF;
	(pc) =	sbr.abs _section_cstart, $3  }
0xbf: {  	[dreg:$0x1] =	wrdreg $0xFFFFFFFF  }
0xc0: {  	_ =	task.clear_ibuf [dreg:s6], $0x2FFFF;
	_ =	strace $0x9FFFFFFF  }
0xc1: {  	(tm) =	ssettm $0x7FFFFFFF  }
tec
execute0_lowered:
.L_overlay_start_1:
0x0: {  	(tag) =	ssettag $0x1  }
0x1: {  	s1 =	stileid.u32  }
0x2: {  	p0 =	sgt.u32 s1, $0x3  }
.Ltmp0:
0x3: {  	_ = 	snop;
	(pc) =	sbr.rel @p0 .LBB2_7-.Ltmp0, $4  }
0x4: {  	_ = 	snop  }
0x5: {  	s3 =	rddreg [dreg:$0x0];
	s2 =	simm.s32 $0x0  }
0x6: {  	[smem:$0x7FF] =	sst s2  }
0x7: {  	s0 =	rddreg [dreg:$0x1];
	_ =	strace $0x80000047  }
0x8: {  	s4 =	srdreg.scid  }
0x9: {  	s4 =	sand.u32 $0x1, s4  }
0xa: {  	s5 =	sshll.u32 s1, $0x5;
	s6 =	sshll.u32 s4, $0x4;
	s4 =	ssub.s32 $0x2, s4  }
0xb: {  	s8 =	sadd.s32 $0x1600, s3;
	s5 =	sor.u32 s6, s5;
	s7 =	sshrl.u32 s4, $0x1  }
0xc: {  	s9 =	simm.s32 $0x1000;
	s6 =	sadd.s32 s5, s3;
	s31 =	ssub.s32 s4, s7  }
0xd: {  	s4 =	sadd.s32 s8, s5;
	s7 =	simm.s32 $0x400;
	s8 =	simm.s32 $0x1  }
0xe: {  	v0 =	vimm.f32 $0.0e+00;
	v1 =	vimm.f32 $1.000000000e+00;
	s3 =	sadd.s32 $0x2600, s6;
	s5 =	smax.u32 s31, $0x1;
	s6 =	simm.s32 $0x80  }
.LBB2_2:
0xf: {  	s10 =	simm.s32 $0x0  }
0x10: {  	[tilespmem:s10], [sflag:$0x1] =	stream.strided.gather [hbm4b:s4+s6], $0x1000, s7, s6, $0x38;
	[tilespmem:$0x1800] =	vst v63  }
0x11: {  	_ =	swait.ge [sflag:s8], $0x1000  }
0x12: {  	[sflag:s8] =	ssyncset.done $0x0  }
0x13: {  	s11 =	simm.s32 $0x0;
	s10 =	simm.s32 $0x40;
	[sflag:s8] =	ssyncadd.s32 $0xFFFFF000  }
.LBB2_3:
0x14: {  	p0 =	sne.s32 s10, $0x1FC0;
	[tilespmem:s11+$0x1000] =	vst v0;
	s11 =	smov.u32 s10;
	s10 =	sadd.s32 $0x40, s10  }
.Ltmp1:
0x15: {  	(pc) =	sbr.rel @p0 .LBB2_3-.Ltmp1, $2  }
0x16: {  	_ =	sdelay $0x2  }
0x17: {  	s11 =	sshra.s32 s11, $0x2  }
0x18: {  	[tilespmem:s11+$0x1000] =	vst v0;
	s11 =	simm.s32 $0x0;
	s10 =	simm.s32 $0x40  }
.LBB2_5:
0x19: {  	p0 =	sne.s32 s10, $0x3FC0;
	v2 =	vld [tilespmem:s11+$0x0];
	_ =	sdelay $0x3  }
.Ltmp2:
0x1a: {  	(pc) =	sbr.rel @p0 .LBB2_5-.Ltmp2, $2  }
0x1b: {  	_ =	sdelay $0x2  }
0x1c: {  	s11 =	sshra.s32 s10, $0x2;
	s10 =	sadd.s32 $0x40, s10;
	[tilespmem:v2+s9+$0x0] =	vst.idx.msk $0xffff, v1  }
0x1d: {  	v2 =	vld [tilespmem:s11+$0x0];
	_ =	sdelay $0x5  }
0x1e: {  	s2 =	sadd.s32 $0x1, s2  }
0x1f: {  	p0 =	sne.s32 s2, s5  }
.Ltmp3:
0x20: {  	[tilespmem:v2+s9+$0x0] =	vst.idx.msk $0xffff, v1;
	(pc) =	sbr.rel @p0 .LBB2_2-.Ltmp3, $4  }
0x21: {  	[hbm4b:s3+s6] =	stream.strided.scatter [tilespmem:s9], [sflag:$0x1], $0x800, s7, s6, $0x38;
	[tilespmem:$0x1800] =	vst v63  }
0x22: {  	_ =	swait.ge [sflag:s8], $0x800  }
0x23: {  	[sflag:s8] =	ssyncset.done $0x0  }
0x24: {  	[sflag:s8] =	ssyncadd.s32 $0xFFFFF800  }
.LBB2_7:
0x25: {  	_ =	sfence.sel $0x180000  }
0x26: {  	[bflag:$0x0] =	sbarrier.arrive $0xFFFF  }
0x27: {  	p0 =	sne.s32 s1, $0x0;
	_ =	strace $0x90000047  }
0x28: {  	s0 =	sadd.s32 @!p0 $0x100000, s0;
	[bflag:$0x2] =	sbarrier.arrive $0xFFFF  }
0x29: {  	[sflag:s0] =	ssyncadd.tile.s32 @!p0 $0x1;
	_ =	shalt  }
.Lfunc_end2:
_tile_overlayer_lowered:
.L_overlay_start_2:
0x2a: {  	(tag) =	ssettag $0x2  }
0x2b: {  	s0 =	rddreg [dreg:$0x0];
	s2 =	stileid.u32  }
0x2c: {  	s1 =	rddreg [dreg:$0x1];
	p0 =	sne.s32 s2, $0x0  }
0x2d: {  	s3 =	rddreg [dreg:$0x2];
	[bflag:$0x3] =	sbarrier.arrive $0xFFFF;
	s2 =	simm.s32 @!p0 $0x1C01  }
0x2e: {  	[timem:s3], [sflag:s2] =	dma.local @!p0 [hbm:s0], s1  }
0x2f: {  	s0 =	simm.s32 @!p0 $0x1  }
0x30: {  	_ =	swait.ge @!p0 [sflag:s0], s1  }
0x31: {  	s1 =	ssub.s32 @!p0 $0x0, s1;
	[sflag:s0] =	ssyncset.done @!p0 $0x0  }
0x32: {  	[sflag:s0] =	ssyncadd.s32 @!p0 s1  }
0x33: {  	[bflag:$0x3] =	sbarrier.arrive $0xFFFF  }
0x34: {  	_ =	shalt  }

</sc_bundles>
